<compile_context>
chip_gen: v7x
topology: tpu7x:2x2x1
jax: 0.10.2.dev20260603
libtpu: 0.0.44.dev20260713+nightly
codegen_flags: <defaults>
</compile_context>

<pallas_src>
import functools

import jax
import jax.numpy as jnp
from jax import lax
from jax.experimental import pallas as pl
from jax.experimental.pallas import tpu as pltpu
from jax.experimental.pallas import tpu_sc as plsc


@functools.cache
def _make_gather(V, D, B):
    info = plsc.get_sparse_core_info()
    NC, NS = info.num_cores, info.num_subcores
    L = 16
    NW = NC * NS
    assert D == NW, (D, NW)
    CB = 2048
    NCH = B // CB
    assert B % CB == 0 and CB % L == 0
    mesh = plsc.VectorSubcoreMesh(core_axis_name="c", subcore_axis_name="s")

    @functools.partial(
        pl.kernel,
        mesh=mesh,
        out_type=jax.ShapeDtypeStruct((D, B), jnp.float32),
        scratch_types=[
            pltpu.VMEM((V,), jnp.float32),
            pltpu.VMEM((B,), jnp.int32),
            pltpu.VMEM((2, CB), jnp.float32),
            pltpu.SemaphoreType.DMA,
            pltpu.SemaphoreType.DMA,
            pltpu.SemaphoreType.DMA,
        ],
        compiler_params=pltpu.CompilerParams(
            use_tc_tiling_on_sc=True, needs_layout_passes=False,
            skip_device_barrier=True),
    )
    def k(tableT_hbm, idx_hbm, outT_hbm, col_v, idx_v, out_v, sc, si, so):
        d = lax.axis_index("s") * NC + lax.axis_index("c")
        col_cp = pltpu.async_copy(tableT_hbm.at[d], col_v, sc)
        idx_cp = pltpu.async_copy(idx_hbm, idx_v, si)
        col_cp.wait()
        idx_cp.wait()

        def drain_one():
            pltpu.make_async_copy(
                outT_hbm.at[d, pl.ds(0, CB)], out_v.at[0], so).wait()

        def chunk(c, _):
            bi = lax.rem(c, 2)

            @pl.when(c >= 2)
            def _():
                drain_one()

            @plsc.parallel_loop(0, CB, step=L, unroll=16)
            def body(i):
                out_v[bi, pl.ds(i, L)] = plsc.load_gather(
                    col_v, [idx_v[pl.ds(c * CB + i, L)]])

            pltpu.async_copy(
                out_v.at[bi], outT_hbm.at[d, pl.ds(c * CB, CB)], so)
            return 0

        lax.fori_loop(0, NCH, chunk, 0)
        drain_one()
        drain_one()

    return k


def kernel(domains, table):
    (B,) = domains.shape
    V, D = table.shape
    idx = domains.astype(jnp.int32)
    outT = _make_gather(V, D, B)(table.T, idx)
    return outT.T

# --- scband reference (transcript-rebuilt; emitter-appended) ---
"""Pipeline reference for scband-domain-embedding-13683765805361 (READ-ONLY COPY).

The authoritative reference and input builder live on the scoring server;
editing this copy changes nothing except your own understanding.
"""

import jax, jax.numpy as jnp
import numpy as np

N_DOMAINS = 100000
DOMAIN_DIM = 32
BATCH = 16384

def setup_inputs(seed: int = 0) -> dict:
    key = jax.random.key(seed)
    k1, k2 = jax.random.split(key)
    domains = jax.random.randint(k1, (BATCH,), 0, N_DOMAINS, dtype=jnp.int64 if jax.config.jax_enable_x64 else jnp.int32)
    table = jax.random.normal(k2, (N_DOMAINS, DOMAIN_DIM), dtype=jnp.float32)
    return {"domains": domains, "table": table}

def reference(domains, table):
    # DomainEmbedding.forward: embedding lookup on batch['domains']
    domain_feature = jnp.take(table, domains, axis=0)
    return domain_feature

if __name__ == "__main__":
    import jax
    _d = setup_inputs()
    print(jax.jit(kernel)(*tuple(_d.values())))

</pallas_src>

<mosaic_0001>
#map = affine_map<(d0, d1) -> (0, 0)>
#map1 = affine_map<(d0, d1) -> (0)>
module attributes {stable_mosaic.version = 14 : i64} {
  func.func @k(%arg0: i32, %arg1: i32, %arg2: memref<32x100000xf32, #tpu.memory_space<hbm>>, %arg3: memref<16384xi32, #tpu.memory_space<hbm>>, %arg4: memref<32x16384xf32, #tpu.memory_space<hbm>>, %arg5: memref<100000xf32, #tpu.memory_space<vmem>>, %arg6: memref<16384xi32, #tpu.memory_space<vmem>>, %arg7: memref<2x2048xf32, #tpu.memory_space<vmem>>, %arg8: memref<!tpu.dma_semaphore, #tpu.memory_space<semaphore_mem>>, %arg9: memref<!tpu.dma_semaphore, #tpu.memory_space<semaphore_mem>>, %arg10: memref<!tpu.dma_semaphore, #tpu.memory_space<semaphore_mem>>) attributes {dimension_semantics = [#tpu.dimension_semantics<core_parallel>, #tpu.dimension_semantics<subcore_parallel>], iteration_bounds = array<i64: 2, 16>, scalar_prefetch = 0 : i64, scratch_operands = 6 : i64, tpu.core_type = #tpu.core_type<sc_vector_subcore>, window_params = [{transform_indices = #map}, {transform_indices = #map1}, {transform_indices = #map}]} {
    %mul3A = arith.constant 2 : i32
    %mul3A_0 = arith.muli %arg1, %mul3A : i32
    %add3A = arith.addi %mul3A_0, %arg0 : i32
    %dma_start3A = arith.constant 0 : i32
    %dma_start3A_1 = tpu.memref_slice %arg2[%add3A, %dma_start3A] : memref<32x100000xf32, #tpu.memory_space<hbm>> -> memref<1x100000xf32, #tpu.memory_space<hbm>>
    %dma_start3A_2 = tpu.memref_squeeze %dma_start3A_1 : memref<1x100000xf32, #tpu.memory_space<hbm>> -> memref<100000xf32, #tpu.memory_space<hbm>>
    %dma_start3A_3 = arith.constant 0 : i32
    %dma_start3A_4 = tpu.memref_slice %arg2[%add3A, %dma_start3A_3] : memref<32x100000xf32, #tpu.memory_space<hbm>> -> memref<1x100000xf32, #tpu.memory_space<hbm>>
    %dma_start3A_5 = tpu.memref_squeeze %dma_start3A_4 : memref<1x100000xf32, #tpu.memory_space<hbm>> -> memref<100000xf32, #tpu.memory_space<hbm>>
    tpu.enqueue_dma source(%dma_start3A_5 : memref<100000xf32, #tpu.memory_space<hbm>>) target(%arg5 : memref<100000xf32, #tpu.memory_space<vmem>>) target_semaphore(%arg8 : memref<!tpu.dma_semaphore, #tpu.memory_space<semaphore_mem>>)
    tpu.enqueue_dma source(%arg3 : memref<16384xi32, #tpu.memory_space<hbm>>) target(%arg6 : memref<16384xi32, #tpu.memory_space<vmem>>) target_semaphore(%arg9 : memref<!tpu.dma_semaphore, #tpu.memory_space<semaphore_mem>>)
    %dma_wait3A = arith.constant 0 : i32
    %dma_wait3A_6 = tpu.memref_slice %arg2[%add3A, %dma_wait3A] : memref<32x100000xf32, #tpu.memory_space<hbm>> -> memref<1x100000xf32, #tpu.memory_space<hbm>>
    %dma_wait3A_7 = tpu.memref_squeeze %dma_wait3A_6 : memref<1x100000xf32, #tpu.memory_space<hbm>> -> memref<100000xf32, #tpu.memory_space<hbm>>
    %dma_wait3A_8 = arith.constant 0 : i32
    %dma_wait3A_9 = tpu.memref_slice %arg2[%add3A, %dma_wait3A_8] : memref<32x100000xf32, #tpu.memory_space<hbm>> -> memref<1x100000xf32, #tpu.memory_space<hbm>>
    %dma_wait3A_10 = tpu.memref_squeeze %dma_wait3A_9 : memref<1x100000xf32, #tpu.memory_space<hbm>> -> memref<100000xf32, #tpu.memory_space<hbm>>
    tpu.wait_dma2 semaphore(%arg8 : memref<!tpu.dma_semaphore, #tpu.memory_space<semaphore_mem>>) src(%dma_wait3A_10 : memref<100000xf32, #tpu.memory_space<hbm>>) dst(%arg5 : memref<100000xf32, #tpu.memory_space<vmem>>)
    tpu.wait_dma2 semaphore(%arg9 : memref<!tpu.dma_semaphore, #tpu.memory_space<semaphore_mem>>) src(%arg3 : memref<16384xi32, #tpu.memory_space<hbm>>) dst(%arg6 : memref<16384xi32, #tpu.memory_space<vmem>>)
    %scan3A = arith.constant 0 : i32
    %scan3A_11 = arith.constant 0 : i32
    %scan3A_12 = arith.constant 8 : i32
    %scan3A_13 = arith.addi %scan3A_11, %scan3A_12 : i32
    %scan3A_14 = arith.constant 1 : i32
    %scan3A_15 = scf.for %scan3A_43 = %scan3A_11 to %scan3A_13 step %scan3A_14 iter_args(%scan3A_44 = %scan3A) -> (i32)  : i32 {
      %rem3A = arith.constant 2 : i32
      %rem3A_45 = arith.remsi %scan3A_43, %rem3A : i32
      %ge3A = arith.constant 2 : i32
      %ge3A_46 = arith.cmpi sge, %scan3A_43, %ge3A : i32
      %convert_element_type3A = arith.extui %ge3A_46 : i1 to i32
      %cond3A = arith.constant 0 : i32
      %cond3A_47 = arith.cmpi ne, %convert_element_type3A, %cond3A : i32
      scf.if %cond3A_47 {
        %dma_wait3A_63 = arith.constant 0 : i32
        %dma_wait3A_64 = arith.constant 0 : i32
        %dma_wait3A_65 = tpu.memref_slice %arg7[%dma_wait3A_63, %dma_wait3A_64] : memref<2x2048xf32, #tpu.memory_space<vmem>> -> memref<1x2048xf32, #tpu.memory_space<vmem>>
        %dma_wait3A_66 = tpu.memref_squeeze %dma_wait3A_65 : memref<1x2048xf32, #tpu.memory_space<vmem>> -> memref<2048xf32, #tpu.memory_space<vmem>>
        %dma_wait3A_67 = arith.constant 0 : i32
        %dma_wait3A_68 = tpu.memref_slice %arg4[%add3A, %dma_wait3A_67] : memref<32x16384xf32, #tpu.memory_space<hbm>> -> memref<1x2048xf32, #tpu.memory_space<hbm>>
        %dma_wait3A_69 = tpu.memref_squeeze %dma_wait3A_68 : memref<1x2048xf32, #tpu.memory_space<hbm>> -> memref<2048xf32, #tpu.memory_space<hbm>>
        %dma_wait3A_70 = arith.constant 0 : i32
        %dma_wait3A_71 = tpu.memref_slice %arg7[%dma_wait3A_63, %dma_wait3A_70] : memref<2x2048xf32, #tpu.memory_space<vmem>> -> memref<1x2048xf32, #tpu.memory_space<vmem>>
        %dma_wait3A_72 = tpu.memref_squeeze %dma_wait3A_71 : memref<1x2048xf32, #tpu.memory_space<vmem>> -> memref<2048xf32, #tpu.memory_space<vmem>>
        %dma_wait3A_73 = arith.constant 0 : i32
        %dma_wait3A_74 = tpu.memref_slice %arg4[%add3A, %dma_wait3A_73] : memref<32x16384xf32, #tpu.memory_space<hbm>> -> memref<1x2048xf32, #tpu.memory_space<hbm>>
        %dma_wait3A_75 = tpu.memref_squeeze %dma_wait3A_74 : memref<1x2048xf32, #tpu.memory_space<hbm>> -> memref<2048xf32, #tpu.memory_space<hbm>>
        tpu.wait_dma2 semaphore(%arg10 : memref<!tpu.dma_semaphore, #tpu.memory_space<semaphore_mem>>) src(%dma_wait3A_75 : memref<2048xf32, #tpu.memory_space<hbm>>) dst(%dma_wait3A_72 : memref<2048xf32, #tpu.memory_space<vmem>>)
      } else {
      }
      %parallel_loop3A = arith.constant 0 : i32
      %parallel_loop3A_48 = arith.constant 2048 : i32
      %parallel_loop3A_49 = arith.constant 16 : i32
      scf.for %parallel_loop3A_63 = %parallel_loop3A to %parallel_loop3A_48 step %parallel_loop3A_49  : i32 {
        %parallel_loop3A_64 = arith.constant 2048 : i32
        %parallel_loop3A_65 = arith.muli %scan3A_43, %parallel_loop3A_64 : i32
        %parallel_loop3A_66 = arith.addi %parallel_loop3A_65, %parallel_loop3A_63 : i32
        %parallel_loop3A_67 = arith.index_cast %parallel_loop3A_66 : i32 to index
        %parallel_loop3A_68 = tpu.vector_load %arg6[%parallel_loop3A_67] {strides = array<i32>} : memref<16384xi32, #tpu.memory_space<vmem>>, vector<16xi32>,
        %parallel_loop3A_69 = tpu.vector_load_idx %arg5[%parallel_loop3A_68] : memref<100000xf32, #tpu.memory_space<vmem>>[vector<16xi32>], vector<16xf32>,
        %parallel_loop3A_70 = arith.index_cast %rem3A_45 : i32 to index
        %parallel_loop3A_71 = arith.index_cast %parallel_loop3A_63 : i32 to index
        %parallel_loop3A_72 = tpu.vector_load %arg7[%parallel_loop3A_70, %parallel_loop3A_71] {strides = array<i32>} : memref<2x2048xf32, #tpu.memory_space<vmem>>, vector<16xf32>,
        tpu.vector_store %arg7[%parallel_loop3A_70, %parallel_loop3A_71], %parallel_loop3A_69 {strides = array<i32>} : memref<2x2048xf32, #tpu.memory_space<vmem>>, vector<16xf32>,
      } {sc.loop_unroll_factor = 16 : i64, sc.parallel_access}
      %mul3A_50 = arith.constant 2048 : i32
      %mul3A_51 = arith.muli %scan3A_43, %mul3A_50 : i32
      %dma_start3A_52 = arith.constant 0 : i32
      %dma_start3A_53 = tpu.memref_slice %arg7[%rem3A_45, %dma_start3A_52] : memref<2x2048xf32, #tpu.memory_space<vmem>> -> memref<1x2048xf32, #tpu.memory_space<vmem>>
      %dma_start3A_54 = tpu.memref_squeeze %dma_start3A_53 : memref<1x2048xf32, #tpu.memory_space<vmem>> -> memref<2048xf32, #tpu.memory_space<vmem>>
      %dma_start3A_55 = tpu.memref_slice %arg4[%add3A, %mul3A_51] : memref<32x16384xf32, #tpu.memory_space<hbm>> -> memref<1x2048xf32, #tpu.memory_space<hbm>>
      %dma_start3A_56 = tpu.memref_squeeze %dma_start3A_55 : memref<1x2048xf32, #tpu.memory_space<hbm>> -> memref<2048xf32, #tpu.memory_space<hbm>>
      %dma_start3A_57 = tpu.memref_slice %arg4[%add3A, %mul3A_51] : memref<32x16384xf32, #tpu.memory_space<hbm>> -> memref<1x2048xf32, #tpu.memory_space<hbm>>
      %dma_start3A_58 = tpu.memref_squeeze %dma_start3A_57 : memref<1x2048xf32, #tpu.memory_space<hbm>> -> memref<2048xf32, #tpu.memory_space<hbm>>
      %dma_start3A_59 = arith.constant 0 : i32
      %dma_start3A_60 = tpu.memref_slice %arg7[%rem3A_45, %dma_start3A_59] : memref<2x2048xf32, #tpu.memory_space<vmem>> -> memref<1x2048xf32, #tpu.memory_space<vmem>>
      %dma_start3A_61 = tpu.memref_squeeze %dma_start3A_60 : memref<1x2048xf32, #tpu.memory_space<vmem>> -> memref<2048xf32, #tpu.memory_space<vmem>>
      tpu.enqueue_dma source(%dma_start3A_61 : memref<2048xf32, #tpu.memory_space<vmem>>) target(%dma_start3A_58 : memref<2048xf32, #tpu.memory_space<hbm>>) target_semaphore(%arg10 : memref<!tpu.dma_semaphore, #tpu.memory_space<semaphore_mem>>)
      %scan3A_62 = arith.constant 0 : i32
      scf.yield %scan3A_62 : i32
    }
    %scan3A_16 = arith.constant 8 : i32
    %dma_wait3A_17 = arith.constant 0 : i32
    %dma_wait3A_18 = arith.constant 0 : i32
    %dma_wait3A_19 = tpu.memref_slice %arg7[%dma_wait3A_17, %dma_wait3A_18] : memref<2x2048xf32, #tpu.memory_space<vmem>> -> memref<1x2048xf32, #tpu.memory_space<vmem>>
    %dma_wait3A_20 = tpu.memref_squeeze %dma_wait3A_19 : memref<1x2048xf32, #tpu.memory_space<vmem>> -> memref<2048xf32, #tpu.memory_space<vmem>>
    %dma_wait3A_21 = arith.constant 0 : i32
    %dma_wait3A_22 = tpu.memref_slice %arg4[%add3A, %dma_wait3A_21] : memref<32x16384xf32, #tpu.memory_space<hbm>> -> memref<1x2048xf32, #tpu.memory_space<hbm>>
    %dma_wait3A_23 = tpu.memref_squeeze %dma_wait3A_22 : memref<1x2048xf32, #tpu.memory_space<hbm>> -> memref<2048xf32, #tpu.memory_space<hbm>>
    %dma_wait3A_24 = arith.constant 0 : i32
    %dma_wait3A_25 = tpu.memref_slice %arg7[%dma_wait3A_17, %dma_wait3A_24] : memref<2x2048xf32, #tpu.memory_space<vmem>> -> memref<1x2048xf32, #tpu.memory_space<vmem>>
    %dma_wait3A_26 = tpu.memref_squeeze %dma_wait3A_25 : memref<1x2048xf32, #tpu.memory_space<vmem>> -> memref<2048xf32, #tpu.memory_space<vmem>>
    %dma_wait3A_27 = arith.constant 0 : i32
    %dma_wait3A_28 = tpu.memref_slice %arg4[%add3A, %dma_wait3A_27] : memref<32x16384xf32, #tpu.memory_space<hbm>> -> memref<1x2048xf32, #tpu.memory_space<hbm>>
    %dma_wait3A_29 = tpu.memref_squeeze %dma_wait3A_28 : memref<1x2048xf32, #tpu.memory_space<hbm>> -> memref<2048xf32, #tpu.memory_space<hbm>>
    tpu.wait_dma2 semaphore(%arg10 : memref<!tpu.dma_semaphore, #tpu.memory_space<semaphore_mem>>) src(%dma_wait3A_29 : memref<2048xf32, #tpu.memory_space<hbm>>) dst(%dma_wait3A_26 : memref<2048xf32, #tpu.memory_space<vmem>>)
    %dma_wait3A_30 = arith.constant 0 : i32
    %dma_wait3A_31 = arith.constant 0 : i32
    %dma_wait3A_32 = tpu.memref_slice %arg7[%dma_wait3A_30, %dma_wait3A_31] : memref<2x2048xf32, #tpu.memory_space<vmem>> -> memref<1x2048xf32, #tpu.memory_space<vmem>>
    %dma_wait3A_33 = tpu.memref_squeeze %dma_wait3A_32 : memref<1x2048xf32, #tpu.memory_space<vmem>> -> memref<2048xf32, #tpu.memory_space<vmem>>
    %dma_wait3A_34 = arith.constant 0 : i32
    %dma_wait3A_35 = tpu.memref_slice %arg4[%add3A, %dma_wait3A_34] : memref<32x16384xf32, #tpu.memory_space<hbm>> -> memref<1x2048xf32, #tpu.memory_space<hbm>>
    %dma_wait3A_36 = tpu.memref_squeeze %dma_wait3A_35 : memref<1x2048xf32, #tpu.memory_space<hbm>> -> memref<2048xf32, #tpu.memory_space<hbm>>
    %dma_wait3A_37 = arith.constant 0 : i32
    %dma_wait3A_38 = tpu.memref_slice %arg7[%dma_wait3A_30, %dma_wait3A_37] : memref<2x2048xf32, #tpu.memory_space<vmem>> -> memref<1x2048xf32, #tpu.memory_space<vmem>>
    %dma_wait3A_39 = tpu.memref_squeeze %dma_wait3A_38 : memref<1x2048xf32, #tpu.memory_space<vmem>> -> memref<2048xf32, #tpu.memory_space<vmem>>
    %dma_wait3A_40 = arith.constant 0 : i32
    %dma_wait3A_41 = tpu.memref_slice %arg4[%add3A, %dma_wait3A_40] : memref<32x16384xf32, #tpu.memory_space<hbm>> -> memref<1x2048xf32, #tpu.memory_space<hbm>>
    %dma_wait3A_42 = tpu.memref_squeeze %dma_wait3A_41 : memref<1x2048xf32, #tpu.memory_space<hbm>> -> memref<2048xf32, #tpu.memory_space<hbm>>
    tpu.wait_dma2 semaphore(%arg10 : memref<!tpu.dma_semaphore, #tpu.memory_space<semaphore_mem>>) src(%dma_wait3A_42 : memref<2048xf32, #tpu.memory_space<hbm>>) dst(%dma_wait3A_39 : memref<2048xf32, #tpu.memory_space<vmem>>)
    return
  }
}

</mosaic_0001>

<sc_bundles>
// kernel: kernel.3.cloned.1.call-start
scs
__scs_entry_jumppad:
0x0: {  	(pc) =	sbr.rel $0x88, $3  }
0x1: {  	(tag) =	ssettag $0x0;
	lr =	simm.s32 $0x1  }
0x2: {  	[smem:$0x3F9F] =	sst lr;
	_ =	strace $0xD0000000  }
0x3: {  	_ = 	snop  }
0x4: {  	_ = 	snop  }
0x5: {  	_ = 	snop  }
0x6: {  	_ = 	snop  }
0x7: {  	_ = 	snop  }
__scs_overlays_trampoline_lowered:
0x8: {  	[smem:$0x3FAE] =	sst s0  }
0x9: {  	[smem:$0x3FAF] =	sst s1  }
0xa: {  	[smem:$0x3FB0] =	sst s2  }
0xb: {  	[smem:$0x3FB1] =	sst s3  }
0xc: {  	[smem:$0x3FB2] =	sst s4  }
0xd: {  	[smem:$0x3FB3] =	sst s5  }
0xe: {  	[smem:$0x3FB4] =	sst s6  }
0xf: {  	[smem:$0x3FB5] =	sst s7  }
0x10: {  	[smem:$0x3FB6] =	sst s8  }
0x11: {  	[smem:$0x3FB7] =	sst s9;
	s0 =	simm.s32 @!p0 $0x0  }
0x12: {  	s1 =	sld [smem:$0x3F9D];
	s0 =	simm.s32 @p0 $0x1  }
0x13: {  	[smem:$0x3FB8] =	sst s0;
	s0 =	simm.s32 @!p1 $0x0  }
0x14: {  	s2 =	sld [smem:$0x3F9C];
	s0 =	simm.s32 @p1 $0x1  }
0x15: {  	[smem:$0x3FB9] =	sst s0;
	s0 =	simm.s32 @!p2 $0x0  }
0x16: {  	s3 =	sld [smem:$0x3FDB];
	s0 =	simm.s32 @p2 $0x1  }
0x17: {  	s4 =	simm.s32 $0x1BF5;
	[smem:$0x3FBB] =	sst s0  }
0x18: {  	s0 =	sld [smem:$0x3F9E];
	_ =	swait.ge [sflag:s4], $0x0  }
0x19: {  	s7 =	sld [smem:$0x3F9F]  }
0x1a: {  	s8 =	sadd.s32 $0xFFFFE003, lr  }
0x1b: {  	s9 =	sadd.s32 $0xFFFFFEF7, lr;
	s5 =	simm.s32 $0xFFFFFFFF;
	p2 =	slt.u32 s8, $0xFFFFF086  }
0x1c: {  	p1 =	slt.u32 s9, $0xF7A;
	s5 =	simm.s32 @!p2 $0x0  }
0x1d: {  	s5 =	simm.s32 @p1 $0x1;
	p0 =	seq.s32 s7, s2  }
0x1e: {  	s7 =	smul.u32 @!p0 $0xF7A, s2;
	p2 =	seq.s32 @!p0 s5, $0x0  }
0x1f: {  	s9 =	smul.u32 $0xF7A, s1;
	s8 =	simm.s32 @!p0 $0x1BF5;
	p2 =	por !p2, p0  }
0x20: {  	[sflag:s8] =	ssyncset.s32 @!p0 $0xFFFFF086;
	s6 =	sadd.s32 @!p0 s3, s7;
	s7 =	simm.s32 @!p0 $0x108  }
0x21: {  	s3 =	sadd.s32 s3, s9;
	s6 =	sadd.s32 @!p0 $0x88, s6;
	s7 =	simm.s32 @p2 $0x1082  }
0x22: {  	[simem:s7], [sflag:s8] =	dma.local @!p0 [hbm:s6], $0xF7A  }
0x23: {  	s9 =	sor.u32 $0xD0000000, s2;
	s6 =	simm.s32 $0x108;
	_ =	swait.ge @!p0 [sflag:s8], $0x0  }
0x24: {  	s3 =	sadd.s32 $0x88, s3;
	s6 =	simm.s32 @!p1 $0x1082;
	[sflag:s4] =	ssyncset.s32 $0xFFFFF086  }
0x25: {  	[simem:s6], [sflag:s4] =	dma.local [hbm:s3], $0xF7A  }
0x26: {  	[smem:$0x3F9F] =	sst s1;
	(tag) =	ssettag s2;
	_ =	strace s9  }
0x27: {  	s1 =	sld [smem:$0x3FAF]  }
0x28: {  	s2 =	sld [smem:$0x3FB0]  }
0x29: {  	s4 =	sld [smem:$0x3FB2]  }
0x2a: {  	p0 =	seq.s32 s5, $0x0;
	s5 =	sld [smem:$0x3FB3]  }
0x2b: {  	s6 =	sld [smem:$0x3FB4]  }
0x2c: {  	s7 =	sld [smem:$0x3FB5]  }
0x2d: {  	s3 =	simm.s32 $0x108;
	s8 =	sld [smem:$0x3FB6]  }
0x2e: {  	s3 =	simm.s32 @!p0 $0x1082;
	s9 =	sld [smem:$0x3FB7]  }
0x2f: {  	lr =	sadd.s32 s0, s3;
	s0 =	sld [smem:$0x3FAE]  }
0x30: {  	s3 =	sld [smem:$0x3FB1]  }
0x31: {  	[smem:$0x3FBA] =	sst s10  }
0x32: {  	s10 =	sld [smem:$0x3FB8];
	_ =	sdelay $0x3  }
0x33: {  	p0 =	seq.s32 s10, $0x1;
	s10 =	sld [smem:$0x3FBA];
	_ =	sdelay $0x3  }
0x34: {  	[smem:$0x3FBA] =	sst s10  }
0x35: {  	s10 =	sld [smem:$0x3FB9];
	_ =	sdelay $0x3  }
0x36: {  	p1 =	seq.s32 s10, $0x1;
	s10 =	sld [smem:$0x3FBA];
	_ =	sdelay $0x3  }
0x37: {  	[smem:$0x3FBA] =	sst s10  }
0x38: {  	s10 =	sld [smem:$0x3FBB]  }
0x39: {  	_ = 	snop;
	(pc) =	sbr.ind lr, $3  }
0x3a: {  	_ = 	snop  }
0x3b: {  	_ = 	snop  }
0x3c: {  	p2 =	seq.s32 s10, $0x1;
	s10 =	sld [smem:$0x3FBA]  }
0x3d: {  	_ =	shalt  }
0x3e: {  	_ =	shalt  }
0x3f: {  	_ =	shalt  }
0x40: {  	_ =	shalt  }
0x41: {  	_ =	shalt  }
0x42: {  	_ =	shalt  }
0x43: {  	_ =	shalt  }
0x44: {  	_ =	shalt  }
0x45: {  	_ =	shalt  }
0x46: {  	_ =	shalt  }
0x47: {  	_ =	shalt  }
0x48: {  	_ =	shalt  }
0x49: {  	_ =	shalt  }
0x4a: {  	_ =	shalt  }
0x4b: {  	_ =	shalt  }
0x4c: {  	_ =	shalt  }
0x4d: {  	_ =	shalt  }
0x4e: {  	_ =	shalt  }
0x4f: {  	_ =	shalt  }
0x50: {  	_ =	shalt  }
0x51: {  	_ =	shalt  }
0x52: {  	_ =	shalt  }
0x53: {  	_ =	shalt  }
0x54: {  	_ =	shalt  }
0x55: {  	_ =	shalt  }
0x56: {  	_ =	shalt  }
0x57: {  	_ =	shalt  }
0x58: {  	_ =	shalt  }
0x59: {  	_ =	shalt  }
0x5a: {  	_ =	shalt  }
0x5b: {  	_ =	shalt  }
0x5c: {  	_ =	shalt  }
0x5d: {  	_ =	shalt  }
0x5e: {  	_ =	shalt  }
0x5f: {  	_ =	shalt  }
0x60: {  	_ =	shalt  }
0x61: {  	_ =	shalt  }
0x62: {  	_ =	shalt  }
0x63: {  	_ =	shalt  }
0x64: {  	_ =	shalt  }
0x65: {  	_ =	shalt  }
0x66: {  	_ =	shalt  }
0x67: {  	_ =	shalt  }
0x68: {  	_ =	shalt  }
0x69: {  	_ =	shalt  }
0x6a: {  	_ =	shalt  }
0x6b: {  	_ =	shalt  }
0x6c: {  	_ =	shalt  }
0x6d: {  	_ =	shalt  }
0x6e: {  	_ =	shalt  }
0x6f: {  	_ =	shalt  }
0x70: {  	_ =	shalt  }
0x71: {  	_ =	shalt  }
0x72: {  	_ =	shalt  }
0x73: {  	_ =	shalt  }
0x74: {  	_ =	shalt  }
0x75: {  	_ =	shalt  }
0x76: {  	_ =	shalt  }
0x77: {  	_ =	shalt  }
0x78: {  	_ =	shalt  }
0x79: {  	_ =	shalt  }
0x7a: {  	_ =	shalt  }
0x7b: {  	_ =	shalt  }
0x7c: {  	_ =	shalt  }
0x7d: {  	_ =	shalt  }
0x7e: {  	_ =	shalt  }
0x7f: {  	_ =	shalt  }
0x80: {  	_ =	shalt  }
0x81: {  	_ =	shalt  }
0x82: {  	_ =	shalt  }
0x83: {  	_ =	shalt  }
0x84: {  	_ =	shalt  }
0x85: {  	_ =	shalt  }
0x86: {  	_ =	shalt  }
0x87: {  	_ =	shalt  }
.Lfunc_end0:
.L_simem_size_0:
called_computation_lowered:
.L_overlay_start_0:
0x88: {  	s2 =	sld [smem:$0x3FD9]  }
0x89: {  	s3 =	sld [smem:$0x3FFE];
	_ =	sdelay $0x1  }
0x8a: {  	s1 =	srdreg.scid  }
0x8b: {  	s0 =	sand.u32 $0x1, s1  }
0x8c: {  	s18 =	sshll.u32 s0, $0xA;
	s2 =	sadd.s32 s3, s2  }
0x8d: {  	s2 =	sadd.s32 s2, s18  }
0x8e: {  	[smem:$0x3FC6] =	sst s2  }
0x8f: {  	_ = 	snop  }
0x90: {  	s2 =	sld [smem:$0x3FC9]  }
0x91: {  	s19 =	sld [smem:$0x3FC8]  }
0x92: {  	s4 =	sld [smem:$0x3FD0];
	(tm) =	ssettm $0x1  }
0x93: {  	s5 =	sld [smem:$0x3FFB];
	_ =	sdelay $0x3  }
0x94: {  	_ =	strace s5  }
0x95: {  	s5 =	sld [smem:$0x3FFC];
	_ =	sdelay $0x3  }
0x96: {  	_ =	strace s5  }
0x97: {  	s5 =	sld [smem:$0x3FFD];
	_ =	sdelay $0x3  }
0x98: {  	_ =	strace s5  }
0x99: {  	_ =	strace $0x8FFFFFFF  }
0x9a: {  	s20 =	sld [smem:$0x3FDB];
	_ =	sdelay $0x1  }
0x9b: {  	s6 =	simm.s32 $_scs_section_size  }
0x9c: {  	s7 =	simm.s32 $_size__tile_overlayer_lowered;
	s8 =	simm.s32 $_tile_overlayer_lowered  }
0x9d: {  	s23 =	simm.s32 $0x1BFF;
	s22 =	sshll.u32 s8, $0x1;
	s5 =	sadd.s32 s6, s20  }
0x9e: {  	s9 =	simm.s32 $0x0;
	s21 =	sshll.u32 s7, $0x1;
	s7 =	sadd.s32 s22, s5  }
0x9f: {  	[timem:s9], [sflag:s23] =	dma.local [hbm:s7], s21  }
0xa0: {  	_ =	swait.ge [sflag:s23], s21  }
0xa1: {  	s6 =	ssub.s32 $0x0, s21;
	[sflag:s23] =	ssyncset.done $0x0  }
0xa2: {  	[sflag:s23] =	ssyncadd.s32 s6;
	_ =	sdelay $0x1  }
0xa3: {  	s24 =	simm.s32 $0x1B8B  }
0xa4: {  	_ =	swait.ge [sflag:s24], $0x1  }
0xa5: {  	[sflag:s24] =	ssyncset.done $0x0  }
0xa6: {  	s25 =	simm.s32 $0x1B8E;
	[sflag:s24] =	ssyncadd.s32 $0xFFFFFFFF  }
0xa7: {  	s26 =	simm.s32 $execute0_lowered;
	[smem:$0x3FD2] =	sst s25  }
0xa8: {  	s6 =	sshll.u32 s26, $0x1;
	_ =	strace $0x80000046;
	[dreg:$0x1] =	wrdreg $0xFFFFFFFF  }
0xa9: {  	s28 =	simm.s32 $_size_execute0_lowered;
	s5 =	sadd.s32 s5, s6;
	[dreg:$0x0] =	wrdreg $0x0  }
0xaa: {  	s6 =	sshll.u32 s28, $0x1;
	[dreg:$0x2] =	wrdreg s5  }
0xab: {  	[dreg:$0x3] =	wrdreg s6  }
0xac: {  	[dreg:$0x4] =	wrdreg $0xC0  }
0xad: {  	_ =	task [dreg:s9], $0x5FFFF  }
0xae: {  	[dreg:$0x1] =	wrdreg $0xFFFFFFFF  }
0xaf: {  	[dreg:$0x0] =	wrdreg $0x60  }
0xb0: {  	[dreg:$0x2] =	wrdreg s19  }
0xb1: {  	[dreg:$0x3] =	wrdreg s2  }
0xb2: {  	[dreg:$0x4] =	wrdreg s4  }
0xb3: {  	[dreg:$0x5] =	wrdreg $0x9  }
0xb4: {  	_ =	task.clear_ibuf [dreg:s9], $0x6FFFF;
	_ =	strace $0x90000046  }
0xb5: {  	s29 =	simm.s32 $0x9;
	_ =	strace $0x80000048  }
0xb6: {  	_ =	swait.ge [sflag:s29], $0x1  }
0xb7: {  	[sflag:s29] =	ssyncadd.s32 $0xFFFFFFFF  }
0xb8: {  	_ =	strace $0x90000048  }
0xb9: {  	_ =	sfence  }
0xba: {  	s30 =	sld [smem:$0x0];
	_ =	sdelay $0x2  }
0xbb: {  	s31 =	sshll.u32 s1, $0xD;
	s1 =	sshrl.u32 s1, $0x2  }
0xbc: {  	s3 =	sand.u32 $0x4000, s31;
	s1 =	sadd.s32 s1, s30  }
0xbd: {  	s0 =	sor.u32 s3, s0;
	s1 =	sshll.u32 s1, $0x11  }
0xbe: {  	s0 =	sor.u32 s1, s0  }
0xbf: {  	s0 =	sadd.s32 $0x8F2B, s0  }
0xc0: {  	[sflag:s0] =	ssyncadd.remote.s32 $0x1  }
0xc1: {  	_ =	sfence.sel $0xFFFF  }
0xc2: {  	[dreg:$0x0] =	wrdreg $0xFFFFFFFF;
	(pc) =	sbr.abs _section_cstart, $3  }
0xc3: {  	[dreg:$0x1] =	wrdreg $0xFFFFFFFF  }
0xc4: {  	_ =	task.clear_ibuf [dreg:s9], $0x2FFFF;
	_ =	strace $0x9FFFFFFF  }
0xc5: {  	(tm) =	ssettm $0x7FFFFFFF  }
tec
execute0_lowered:
.L_overlay_start_1:
0x0: {  	(tag) =	ssettag $0x1  }
0x1: {  	s5 =	rddreg [dreg:$0x0]  }
0x2: {  	s1 =	rddreg [dreg:$0x1]  }
0x3: {  	s2 =	rddreg [dreg:$0x2]  }
0x4: {  	s3 =	srdreg.scid;
	s0 =	stileid.u32  }
0x5: {  	s4 =	simm.s32 $0x0;
	s11 =	simm.s32 $0x1;
	s12 =	simm.s32 $0x2  }
0x6: {  	s13 =	simm.s32 $0x3;
	s14 =	simm.s32 $0x0;
	s6 =	sand.u32 $0x1, s3  }
0x7: {  	s7 =	sshrl.u32 s0, $0x2;
	s29 =	sshll.u32 s0, $0x8;
	s3 =	rddreg [dreg:$0x3]  }
0x8: {  	[smem:$0x7FF] =	sst s4;
	s8 =	sshll.u32 s6, $0x7;
	s9 =	sand.u32 $0x300, s29  }
0x9: {  	s10 =	smul.u32 $0xC3800, s7;
	s6 =	ssub.s32 $0x2, s6;
	_ =	strace $0x80000047  }
0xa: {  	s31 =	sshll.u32 s7, $0x11;
	s8 =	sor.u32 s8, s9;
	s30 =	sshrl.u32 s6, $0x1  }
0xb: {  	s9 =	sor.u32 s10, s8;
	s10 =	ssub.s32 s6, s30;
	s6 =	sor.u32 s8, s31  }
0xc: {  	s8 =	simm.s32 $0x80;
	s9 =	sshrl.u32 s9, $0x3;
	s7 =	smax.u32 s10, $0x1  }
0xd: {  	s10 =	simm.s32 $0x18700;
	s5 =	sadd.s32 s5, s9;
	s9 =	simm.s32 $0x400  }
.LBB2_1:
0xe: {  	[tilespmem:s4], [sflag:$0x1] =	stream.strided.gather [hbm4b:s5+s8], $0x18700, s9, s8, $0x38;
	[tilespmem:$0x1D700] =	vst v63  }
0xf: {  	_ = 	snop  }
0x10: {  	[tilespmem:s10], [sflag:$0x2] =	stream.linear.gather [hbm4b:s1+s4], $0x4000, $0x38;
	[tilespmem:$0x1D700] =	vst v63  }
0x11: {  	_ =	swait.ge [sflag:s11], $0x18700  }
0x12: {  	[sflag:s11] =	ssyncset.done $0x0  }
0x13: {  	[sflag:s11] =	ssyncadd.s32 $0xFFFE7900  }
0x14: {  	_ =	swait.ge [sflag:s12], $0x4000  }
0x15: {  	p0 =	por $0x0, $0x0;
	[sflag:s12] =	ssyncset.done $0x0  }
0x16: {  	s15 =	simm.s32 $0x18780;
	s16 =	simm.s32 $0x0;
	[sflag:s12] =	ssyncadd.s32 $0xFFFFC000  }
.LBB2_2:
0x17: {  	p1 =	slt.u32 s16, $0x2  }
0x18: {  	s17 =	simm.s32 @!p1 $0x3  }
0x19: {  	_ =	swait.ge @!p1 [sflag:s17], $0x800  }
0x1a: {  	[sflag:s17] =	ssyncset.done @!p1 $0x0  }
0x1b: {  	[sflag:s17] =	ssyncadd.s32 @!p1 $0xFFFFF800  }
0x1c: {  	v0 =	vld [tilespmem:s15+$0x70]  }
0x1d: {  	v1 =	vld [tilespmem:s15+$0xFFFFFF90]  }
0x1e: {  	v2 =	vld [tilespmem:s15+$0xFFFFFFA0]  }
0x1f: {  	v3 =	vld [tilespmem:s15+$0xFFFFFFB0]  }
0x20: {  	v4 =	vld [tilespmem:s15+$0xFFFFFFC0]  }
0x21: {  	v5 =	vld [tilespmem:s15+$0xFFFFFFD0]  }
0x22: {  	v6 =	vld [tilespmem:s15+$0xFFFFFFE0]  }
0x23: {  	v7 =	vld [tilespmem:s15+$0xFFFFFFF0]  }
0x24: {  	v8 =	vld [tilespmem:s15+$0x0]  }
0x25: {  	v9 =	vld [tilespmem:s15+$0x10]  }
0x26: {  	v10 =	vld [tilespmem:s15+$0x20]  }
0x27: {  	v11 =	vld [tilespmem:s15+$0x30]  }
0x28: {  	v12 =	vld [tilespmem:s15+$0x40]  }
0x29: {  	v13 =	vld [tilespmem:s15+$0x50]  }
0x2a: {  	v14 =	vld [tilespmem:s15+$0x60]  }
0x2b: {  	v15 =	vld [tilespmem:s15+$0xFFFFFF80]  }
0x2c: {  	v0 =	vld.idx.msk [tilespmem:v0+s4+$0x0], $0xffff  }
0x2d: {  	v1 =	vld.idx.msk [tilespmem:v1+s4+$0x0], $0xffff  }
0x2e: {  	s17 =	simm.s32 $0x1;
	v2 =	vld.idx.msk [tilespmem:v2+s4+$0x0], $0xffff  }
0x2f: {  	s17 =	simm.s32 @!p0 $0x0;
	v3 =	vld.idx.msk [tilespmem:v3+s4+$0x0], $0xffff  }
0x30: {  	s17 =	sshll.u32 s17, $0x7;
	v4 =	vld.idx.msk [tilespmem:v4+s4+$0x0], $0xffff  }
0x31: {  	s18 =	sor.u32 $0x1C800, s17;
	v5 =	vld.idx.msk [tilespmem:v5+s4+$0x0], $0xffff  }
0x32: {  	v6 =	vld.idx.msk [tilespmem:v6+s4+$0x0], $0xffff;
	[tilespmem:s18+$0x70] =	vst v0  }
0x33: {  	v7 =	vld.idx.msk [tilespmem:v7+s4+$0x0], $0xffff;
	[tilespmem:s18+$0xFFFFFF10] =	vst v1  }
0x34: {  	v15 =	vld.idx.msk [tilespmem:v15+s4+$0x0], $0xffff;
	[tilespmem:s18+$0xFFFFFF20] =	vst v2  }
0x35: {  	v8 =	vld.idx.msk [tilespmem:v8+s4+$0x0], $0xffff;
	[tilespmem:s18+$0xFFFFFF30] =	vst v3  }
0x36: {  	[tilespmem:s18+$0xFFFFFF40] =	vst v4;
	v0 =	vld.idx.msk [tilespmem:v9+s4+$0x0], $0xffff  }
0x37: {  	[tilespmem:s18+$0xFFFFFF50] =	vst v5;
	v1 =	vld.idx.msk [tilespmem:v10+s4+$0x0], $0xffff  }
0x38: {  	[tilespmem:s18+$0xFFFFFF60] =	vst v6;
	v2 =	vld.idx.msk [tilespmem:v11+s4+$0x0], $0xffff  }
0x39: {  	s31 =	sshll.u32 s16, $0x7;
	[tilespmem:s18+$0xFFFFFF70] =	vst v7;
	v3 =	vld.idx.msk [tilespmem:v12+s4+$0x0], $0xffff  }
0x3a: {  	s17 =	sand.u32 $0x80, s31;
	[tilespmem:s18+$0xFFFFFF00] =	vst v15;
	v4 =	vld.idx.msk [tilespmem:v13+s4+$0x0], $0xffff  }
0x3b: {  	s20 =	simm.s32 $0x0;
	s21 =	sadd.s32 $0x100, s15;
	s19 =	sor.u32 $0x1C700, s17;
	[tilespmem:s18+$0x0] =	vst v8;
	v5 =	vld.idx.msk [tilespmem:v14+s4+$0x0], $0xffff  }
.LBB2_3:
0x3c: {  	v6 =	vld [tilespmem:s21+$0x70];
	s20 =	sadd.s32 $0x100, s20;
	[tilespmem:s18+$0x10] =	vst v0  }
0x3d: {  	v0 =	vld [tilespmem:s21+$0xFFFFFF90];
	p1 =	slt.u32 s20, $0x700;
	[tilespmem:s18+$0x20] =	vst v1  }
0x3e: {  	v1 =	vld [tilespmem:s21+$0xFFFFFFA0];
	[tilespmem:s18+$0x30] =	vst v2  }
0x3f: {  	v2 =	vld [tilespmem:s21+$0xFFFFFFB0];
	[tilespmem:s18+$0x40] =	vst v3  }
0x40: {  	v3 =	vld [tilespmem:s21+$0xFFFFFFC0];
	[tilespmem:s18+$0x50] =	vst v4  }
0x41: {  	v4 =	vld [tilespmem:s21+$0xFFFFFFD0];
	[tilespmem:s18+$0x60] =	vst v5  }
0x42: {  	v5 =	vld [tilespmem:s21+$0xFFFFFFE0]  }
0x43: {  	v7 =	vld [tilespmem:s21+$0xFFFFFFF0]  }
0x44: {  	v6 =	vld.idx.msk [tilespmem:v6+s4+$0x0], $0xffff  }
0x45: {  	v8 =	vld [tilespmem:s21+$0x0]  }
0x46: {  	v9 =	vld [tilespmem:s21+$0x10]  }
0x47: {  	v10 =	vld [tilespmem:s21+$0x20]  }
0x48: {  	v11 =	vld [tilespmem:s21+$0x30]  }
0x49: {  	s18 =	sadd.s32 $0x200, s18;
	v12 =	vld [tilespmem:s21+$0x40]  }
0x4a: {  	v13 =	vld [tilespmem:s21+$0x50];
	[tilespmem:s18+$0x70] =	vst v6  }
0x4b: {  	v6 =	vld [tilespmem:s21+$0x60]  }
0x4c: {  	v14 =	vld [tilespmem:s21+$0xFFFFFF80]  }
0x4d: {  	v0 =	vld.idx.msk [tilespmem:v0+s4+$0x0], $0xffff  }
0x4e: {  	v1 =	vld.idx.msk [tilespmem:v1+s4+$0x0], $0xffff  }
0x4f: {  	v2 =	vld.idx.msk [tilespmem:v2+s4+$0x0], $0xffff  }
0x50: {  	v3 =	vld.idx.msk [tilespmem:v3+s4+$0x0], $0xffff  }
0x51: {  	v4 =	vld.idx.msk [tilespmem:v4+s4+$0x0], $0xffff  }
0x52: {  	v5 =	vld.idx.msk [tilespmem:v5+s4+$0x0], $0xffff  }
0x53: {  	[tilespmem:s18+$0xFFFFFF10] =	vst v0;
	v7 =	vld.idx.msk [tilespmem:v7+s4+$0x0], $0xffff  }
0x54: {  	v14 =	vld.idx.msk [tilespmem:v14+s4+$0x0], $0xffff;
	[tilespmem:s18+$0xFFFFFF20] =	vst v1  }
0x55: {  	[tilespmem:s18+$0xFFFFFF30] =	vst v2;
	v8 =	vld.idx.msk [tilespmem:v8+s4+$0x0], $0xffff  }
0x56: {  	[tilespmem:s18+$0xFFFFFF40] =	vst v3;
	v0 =	vld.idx.msk [tilespmem:v9+s4+$0x0], $0xffff  }
.Ltmp0:
0x57: {  	[tilespmem:s18+$0xFFFFFF50] =	vst v4;
	v1 =	vld.idx.msk [tilespmem:v10+s4+$0x0], $0xffff;
	(pc) =	sbr.rel @p1 .LBB2_3-.Ltmp0, $4  }
0x58: {  	[tilespmem:s18+$0xFFFFFF60] =	vst v5;
	v2 =	vld.idx.msk [tilespmem:v11+s4+$0x0], $0xffff  }
0x59: {  	[tilespmem:s18+$0xFFFFFF70] =	vst v7;
	v3 =	vld.idx.msk [tilespmem:v12+s4+$0x0], $0xffff  }
0x5a: {  	[tilespmem:s18+$0xFFFFFF00] =	vst v14;
	v4 =	vld.idx.msk [tilespmem:v13+s4+$0x0], $0xffff  }
0x5b: {  	s21 =	sadd.s32 $0x100, s21;
	[tilespmem:s18+$0x0] =	vst v8;
	v5 =	vld.idx.msk [tilespmem:v6+s4+$0x0], $0xffff  }
0x5c: {  	[tilespmem:s18+$0x10] =	vst v0  }
0x5d: {  	[tilespmem:s18+$0x20] =	vst v1  }
0x5e: {  	s20 =	sshll.u32 s16, $0xE;
	[tilespmem:s18+$0x30] =	vst v2  }
0x5f: {  	s20 =	sadd.s32 s6, s20;
	[tilespmem:s18+$0x40] =	vst v3  }
0x60: {  	s20 =	sshrl.u32 s20, $0x3;
	[tilespmem:s18+$0x50] =	vst v4  }
0x61: {  	[tilespmem:s18+$0x60] =	vst v5;
	s18 =	sadd.s32 s2, s20  }
0x62: {  	[hbm4b:s18+s4] =	stream.linear.scatter [tilespmem:s19], [sflag:$0x3], $0x80, $0x38;
	[tilespmem:$0x1D700] =	vst v63  }
0x63: {  	s24 =	sor.u32 $0x1C800, s17;
	s20 =	sadd.s32 $0x80, s18  }
0x64: {  	[hbm4b:s20+s4] =	stream.linear.scatter [tilespmem:s24], [sflag:$0x3], $0x80, $0x38;
	[tilespmem:$0x1D700] =	vst v63  }
0x65: {  	s25 =	sor.u32 $0x1C900, s17;
	s26 =	sadd.s32 $0x100, s18  }
0x66: {  	[hbm4b:s26+s4] =	stream.linear.scatter [tilespmem:s25], [sflag:$0x3], $0x80, $0x38;
	[tilespmem:$0x1D700] =	vst v63  }
0x67: {  	s28 =	sor.u32 $0x1CA00, s17;
	s29 =	sadd.s32 $0x180, s18  }
0x68: {  	[hbm4b:s29+s4] =	stream.linear.scatter [tilespmem:s28], [sflag:$0x3], $0x80, $0x38;
	[tilespmem:$0x1D700] =	vst v63  }
0x69: {  	s30 =	sor.u32 $0x1CB00, s17;
	s31 =	sadd.s32 $0x200, s18  }
0x6a: {  	[hbm4b:s31+s4] =	stream.linear.scatter [tilespmem:s30], [sflag:$0x3], $0x80, $0x38;
	[tilespmem:$0x1D700] =	vst v63  }
0x6b: {  	s21 =	sor.u32 $0x1CC00, s17;
	s22 =	sadd.s32 $0x280, s18  }
0x6c: {  	[hbm4b:s22+s4] =	stream.linear.scatter [tilespmem:s21], [sflag:$0x3], $0x80, $0x38;
	[tilespmem:$0x1D700] =	vst v63  }
0x6d: {  	s23 =	sor.u32 $0x1CD00, s17;
	s24 =	sadd.s32 $0x300, s18  }
0x6e: {  	[hbm4b:s24+s4] =	stream.linear.scatter [tilespmem:s23], [sflag:$0x3], $0x80, $0x38;
	[tilespmem:$0x1D700] =	vst v63  }
0x6f: {  	s25 =	sor.u32 $0x1CE00, s17;
	s26 =	sadd.s32 $0x380, s18  }
0x70: {  	[hbm4b:s26+s4] =	stream.linear.scatter [tilespmem:s25], [sflag:$0x3], $0x80, $0x38;
	[tilespmem:$0x1D700] =	vst v63  }
0x71: {  	s28 =	sor.u32 $0x1CF00, s17;
	s29 =	sadd.s32 $0x400, s18  }
0x72: {  	[hbm4b:s29+s4] =	stream.linear.scatter [tilespmem:s28], [sflag:$0x3], $0x80, $0x38;
	[tilespmem:$0x1D700] =	vst v63  }
0x73: {  	s30 =	sor.u32 $0x1D000, s17;
	s31 =	sadd.s32 $0x480, s18  }
0x74: {  	[hbm4b:s31+s4] =	stream.linear.scatter [tilespmem:s30], [sflag:$0x3], $0x80, $0x38;
	[tilespmem:$0x1D700] =	vst v63  }
0x75: {  	s20 =	sor.u32 $0x1D100, s17;
	s21 =	sadd.s32 $0x500, s18  }
0x76: {  	[hbm4b:s21+s4] =	stream.linear.scatter [tilespmem:s20], [sflag:$0x3], $0x80, $0x38;
	[tilespmem:$0x1D700] =	vst v63  }
0x77: {  	s22 =	sor.u32 $0x1D200, s17;
	s23 =	sadd.s32 $0x580, s18  }
0x78: {  	[hbm4b:s23+s4] =	stream.linear.scatter [tilespmem:s22], [sflag:$0x3], $0x80, $0x38;
	[tilespmem:$0x1D700] =	vst v63  }
0x79: {  	s16 =	sadd.s32 $0x1, s16;
	s24 =	sor.u32 $0x1D300, s17;
	s25 =	sadd.s32 $0x600, s18  }
0x7a: {  	[hbm4b:s25+s4] =	stream.linear.scatter [tilespmem:s24], [sflag:$0x3], $0x80, $0x38;
	[tilespmem:$0x1D700] =	vst v63  }
0x7b: {  	p1 =	sne.s32 s16, $0x8;
	s26 =	sor.u32 $0x1D400, s17;
	s28 =	sadd.s32 $0x680, s18  }
0x7c: {  	[hbm4b:s28+s4] =	stream.linear.scatter [tilespmem:s26], [sflag:$0x3], $0x80, $0x38;
	[tilespmem:$0x1D700] =	vst v63  }
.Ltmp1:
0x7d: {  	_ = 	snop;
	(pc) =	sbr.rel @p1 .LBB2_2-.Ltmp1, $4  }
0x7e: {  	p0 =	por !p0, !p0;
	s29 =	sor.u32 $0x1D500, s17;
	s30 =	sadd.s32 $0x700, s18  }
0x7f: {  	[hbm4b:s30+s4] =	stream.linear.scatter [tilespmem:s29], [sflag:$0x3], $0x80, $0x38;
	[tilespmem:$0x1D700] =	vst v63  }
0x80: {  	s15 =	sadd.s32 $0x800, s15;
	s31 =	sor.u32 $0x1D600, s17;
	s18 =	sadd.s32 $0x780, s18  }
0x81: {  	[hbm4b:s18+s4] =	stream.linear.scatter [tilespmem:s31], [sflag:$0x3], $0x80, $0x38;
	[tilespmem:$0x1D700] =	vst v63  }
0x82: {  	s14 =	sadd.s32 $0x1, s14  }
0x83: {  	_ =	swait.ge [sflag:s13], $0x800;
	p0 =	sne.s32 s14, s7  }
.Ltmp2:
0x84: {  	[sflag:s13] =	ssyncset.done $0x0;
	(pc) =	sbr.rel @p0 .LBB2_1-.Ltmp2, $4  }
0x85: {  	[sflag:s13] =	ssyncadd.s32 $0xFFFFF800  }
0x86: {  	_ =	swait.ge [sflag:s13], $0x800  }
0x87: {  	[sflag:s13] =	ssyncset.done $0x0  }
0x88: {  	[sflag:s13] =	ssyncadd.s32 $0xFFFFF800  }
0x89: {  	_ =	sfence.sel $0x180000  }
0x8a: {  	[bflag:$0x0] =	sbarrier.arrive $0xFFFF  }
0x8b: {  	p0 =	sne.s32 s0, $0x0;
	_ =	strace $0x90000047  }
0x8c: {  	s0 =	sadd.s32 @!p0 $0x100000, s3;
	[bflag:$0x2] =	sbarrier.arrive $0xFFFF  }
0x8d: {  	[sflag:s0] =	ssyncadd.tile.s32 @!p0 $0x1;
	_ =	shalt  }
.Lfunc_end2:
_tile_overlayer_lowered:
.L_overlay_start_2:
0x8e: {  	(tag) =	ssettag $0x2  }
0x8f: {  	s0 =	rddreg [dreg:$0x0];
	s2 =	stileid.u32  }
0x90: {  	s1 =	rddreg [dreg:$0x1];
	p0 =	sne.s32 s2, $0x0  }
0x91: {  	s3 =	rddreg [dreg:$0x2];
	[bflag:$0x3] =	sbarrier.arrive $0xFFFF;
	s2 =	simm.s32 @!p0 $0x1C04  }
0x92: {  	[timem:s3], [sflag:s2] =	dma.local @!p0 [hbm:s0], s1  }
0x93: {  	s0 =	simm.s32 @!p0 $0x4  }
0x94: {  	_ =	swait.ge @!p0 [sflag:s0], s1  }
0x95: {  	s1 =	ssub.s32 @!p0 $0x0, s1;
	[sflag:s0] =	ssyncset.done @!p0 $0x0  }
0x96: {  	[sflag:s0] =	ssyncadd.s32 @!p0 s1  }
0x97: {  	[bflag:$0x3] =	sbarrier.arrive $0xFFFF  }
0x98: {  	_ =	shalt  }

</sc_bundles>
